<compile_context>
chip_gen: v7x
topology: tpu7x:2x2x1
jax: 0.10.2.dev20260603
libtpu: 0.0.44.dev20260713+nightly
codegen_flags: <defaults>
</compile_context>

<pallas_src>
import jax
import jax.numpy as jnp
from jax import lax
from jax.experimental import pallas as pl
from jax.experimental.pallas import tpu as pltpu
from jax.experimental.pallas import tpu_sc as plsc

SENT_LEN = 50
BATCH = 1024
MAX_WORD_LEN = 20
CHAR_VOCAB = 262
CHAR_EMBED = 20
DPAD = 24
N_WORDS = SENT_LEN * BATCH
WORD_VOCAB = 100000
SROW = 24
NSROW = WORD_VOCAB * (MAX_WORD_LEN + 1) // SROW
TABN = CHAR_VOCAB * CHAR_EMBED

NUM_CORES = 2
NUM_SUBCORES = 16
NW = NUM_CORES * NUM_SUBCORES
SW = N_WORDS // NW
C = 80
NCH = SW // C
NWG = C // 16


def _sc_body(inp_ref, w2c_ref, tab_ref, out_e_ref, out_l_ref,
             widx, ridx, offv, spell, lens, tab_v, ebuf, sem_s, sem_w):
  cid = lax.axis_index("c")
  sid = lax.axis_index("s")
  wid = sid * NUM_CORES + cid
  wbase = wid * SW

  pltpu.sync_copy(tab_ref, tab_v)

  def chunk_body(ci, carry):
    cb = wbase + ci * C
    buf = lax.rem(ci, 2)
    pltpu.sync_copy(inp_ref.at[pl.ds(cb, C)], widx)

    def rowidx(i, carry2):
      wv = widx[pl.ds(i * 16, 16)]
      t21 = wv * (MAX_WORD_LEN + 1)
      r0 = lax.shift_right_logical(wv * 7, 3)
      ridx[0, pl.ds(i * 16, 16)] = r0
      ridx[1, pl.ds(i * 16, 16)] = jnp.minimum(r0 + 1, NSROW - 1)
      offv[pl.ds(i * 16, 16)] = t21 - r0 * SROW
      return carry2

    lax.fori_loop(0, NWG, rowidx, 0)

    cp0 = pltpu.async_copy(w2c_ref.at[ridx.at[0]], spell.at[pl.ds(0, C)],
                           sem_s)
    cp1 = pltpu.async_copy(w2c_ref.at[ridx.at[1]], spell.at[pl.ds(C, C)],
                           sem_s)
    cp0.wait()
    cp1.wait()

    def extract_len(i, carry2):
      lane = lax.iota(jnp.int32, 16)
      wl = i * 16 + lane
      oj = plsc.load_gather(offv, [wl]) + MAX_WORD_LEN
      k = lax.shift_right_logical(oj * 2731, 16)
      m = oj - k * SROW
      lv = plsc.load_gather(spell, [k * C + wl, m])
      lens[pl.ds(ci * C + i * 16, 16)] = lv
      return carry2

    lax.fori_loop(0, NWG, extract_len, 0)

    def build_cg(cg, carry2):
      c = cg // NWG
      g = cg - c * NWG
      lane = lax.iota(jnp.int32, 16)
      wl = g * 16 + lane
      oj = plsc.load_gather(offv, [wl]) + c
      k = lax.shift_right_logical(oj * 2731, 16)
      m = oj - k * SROW
      chars = plsc.load_gather(spell, [k * C + wl, m])
      fb = chars * CHAR_EMBED

      def build_d(d, carry3):
        vals = plsc.load_gather(tab_v, [fb + d])
        ebuf[buf, c, d, pl.ds(g * 16, 16)] = vals
        return carry3

      lax.fori_loop(0, CHAR_EMBED, build_d, 0, unroll=5)
      return carry2

    lax.fori_loop(0, MAX_WORD_LEN * NWG, build_cg, 0)

    @pl.when(ci >= 2)
    def _():
      pltpu.make_async_copy(
          out_e_ref.at[:, :, pl.ds(wbase, C)], ebuf.at[buf], sem_w).wait()

    pltpu.async_copy(ebuf.at[buf], out_e_ref.at[:, :, pl.ds(cb, C)], sem_w)
    return carry

  lax.fori_loop(0, NCH, chunk_body, 0)
  for _ in range(2):
    pltpu.make_async_copy(
        out_e_ref.at[:, :, pl.ds(wbase, C)], ebuf.at[0], sem_w).wait()
  pltpu.sync_copy(lens, out_l_ref.at[pl.ds(wbase, SW)])


@jax.jit
def _char2vec(inp_flat, w2c_rows, tab_flat):
  mesh = plsc.VectorSubcoreMesh(
      core_axis_name="c", subcore_axis_name="s",
      num_cores=NUM_CORES, num_subcores=NUM_SUBCORES)
  k = pl.kernel(
      _sc_body,
      out_type=[
          jax.ShapeDtypeStruct((MAX_WORD_LEN, DPAD, N_WORDS), jnp.float32),
          jax.ShapeDtypeStruct((N_WORDS,), jnp.int32),
      ],
      mesh=mesh,
      scratch_types=[
          pltpu.VMEM((C,), jnp.int32),
          pltpu.VMEM((2, C), jnp.int32),
          pltpu.VMEM((C,), jnp.int32),
          pltpu.VMEM((2 * C, SROW), jnp.int32),
          pltpu.VMEM((SW,), jnp.int32),
          pltpu.VMEM((TABN,), jnp.float32),
          pltpu.VMEM((2, MAX_WORD_LEN, DPAD, C), jnp.float32),
          pltpu.SemaphoreType.DMA,
          pltpu.SemaphoreType.DMA,
      ],
      compiler_params=pltpu.CompilerParams(
          use_tc_tiling_on_sc=False, needs_layout_passes=False),
  )
  return k(inp_flat, w2c_rows, tab_flat)


def kernel(inp, word2chars, charEmbedTable):
  sent_len, batch, _ = inp.shape
  inp_flat = inp.reshape(-1)
  w2c_rows = word2chars.reshape(NSROW, SROW)
  tab_flat = charEmbedTable.reshape(-1)
  emb_t, len_flat = _char2vec(inp_flat, w2c_rows, tab_flat)
  char_embeds = jnp.transpose(emb_t[:, :CHAR_EMBED, :], (2, 0, 1))
  return (char_embeds, len_flat)

# --- scband reference (transcript-rebuilt; emitter-appended) ---
"""Pipeline reference for scband-char2-vec-base-2448131358797 (READ-ONLY COPY).

The authoritative reference and input builder live on the scoring server;
editing this copy changes nothing except your own understanding.
"""

import jax, jax.numpy as jnp
import numpy as np

WORD_VOCAB = 100000
MAX_WORD_LEN = 20
CHAR_VOCAB = 262
CHAR_EMBED = 20
SENT_LEN = 50
BATCH = 1024
PAD_IDX = 0


def setup_inputs(seed: int = 0) -> dict:
    key = jax.random.key(seed)
    k1, k2, k3, k4 = jax.random.split(key, 4)
    # forward input: word indices [sentLen, batchQty, 1]
    inp = jax.random.randint(k1, (SENT_LEN, BATCH, 1), 0, WORD_VOCAB, dtype=jnp.int32)
    # vocabSpell: word2chars table [WORD_VOCAB, MAX_WORD_LEN+1], last col = word length
    chars = jax.random.randint(k2, (WORD_VOCAB, MAX_WORD_LEN), 1, CHAR_VOCAB, dtype=jnp.int32)
    lens = jax.random.randint(k3, (WORD_VOCAB, 1), 1, MAX_WORD_LEN + 1, dtype=jnp.int32)
    word2chars = jnp.concatenate([chars, lens], axis=1)
    # learned char embedding table, padding row zeroed (padding_idx=0)
    charEmbedTable = jax.random.normal(k4, (CHAR_VOCAB, CHAR_EMBED), dtype=jnp.float32) * 0.1
    charEmbedTable = charEmbedTable.at[PAD_IDX].set(0.0)
    return {"inp": inp, "word2chars": word2chars, "charEmbedTable": charEmbedTable}


def reference(inp, word2chars, charEmbedTable):
    # forward: gather word spellings, split chars / lengths
    sentLen, batchQty, dim = inp.shape
    assert dim == 1
    spellData = jnp.take(word2chars, inp.reshape(-1), axis=0)  # [S*B, maxWordLen+1]
    spellData = spellData.reshape(sentLen, batchQty, -1)
    charTensor = spellData[:, :, :-1]
    lenTensor = spellData[:, :, -1]
    # embedReshapeChars (dropout is identity in eval mode)
    charVar = charTensor.reshape(-1)
    charEmbeds = jnp.take(charEmbedTable, charVar, axis=0)  # [S*B*L, d_char]
    charEmbeds = charEmbeds.reshape(sentLen * batchQty, MAX_WORD_LEN, -1)
    lenFlat = lenTensor.reshape(-1)
    return (charEmbeds, lenFlat)

if __name__ == "__main__":
    import jax
    _d = setup_inputs()
    print(jax.jit(kernel)(*tuple(_d.values())))

</pallas_src>

<mosaic_0001>
#map = affine_map<(d0, d1) -> (0)>
#map1 = affine_map<(d0, d1) -> (0, 0)>
#map2 = affine_map<(d0, d1) -> (0, 0, 0)>
module attributes {stable_mosaic.version = 14 : i64} {
  func.func @_sc_body(%arg0: i32, %arg1: i32, %arg2: memref<51200xi32, #tpu.memory_space<hbm>>, %arg3: memref<87500x24xi32, #tpu.memory_space<hbm>>, %arg4: memref<5240xf32, #tpu.memory_space<hbm>>, %arg5: memref<20x24x51200xf32, #tpu.memory_space<hbm>>, %arg6: memref<51200xi32, #tpu.memory_space<hbm>>, %arg7: memref<80xi32, #tpu.memory_space<vmem>>, %arg8: memref<2x80xi32, #tpu.memory_space<vmem>>, %arg9: memref<80xi32, #tpu.memory_space<vmem>>, %arg10: memref<160x24xi32, #tpu.memory_space<vmem>>, %arg11: memref<1600xi32, #tpu.memory_space<vmem>>, %arg12: memref<5240xf32, #tpu.memory_space<vmem>>, %arg13: memref<2x20x24x80xf32, #tpu.memory_space<vmem>>, %arg14: memref<!tpu.dma_semaphore, #tpu.memory_space<semaphore_mem>>, %arg15: memref<!tpu.dma_semaphore, #tpu.memory_space<semaphore_mem>>) attributes {dimension_semantics = [#tpu.dimension_semantics<core_parallel>, #tpu.dimension_semantics<subcore_parallel>], iteration_bounds = array<i64: 2, 16>, scalar_prefetch = 0 : i64, scratch_operands = 9 : i64, tpu.core_type = #tpu.core_type<sc_vector_subcore>, window_params = [{transform_indices = #map}, {transform_indices = #map1}, {transform_indices = #map}, {transform_indices = #map2}, {transform_indices = #map}]} {
    %mul3A = arith.constant 2 : i32
    %mul3A_0 = arith.muli %arg1, %mul3A : i32
    %add3A = arith.addi %mul3A_0, %arg0 : i32
    %mul3A_1 = arith.constant 1600 : i32
    %mul3A_2 = arith.muli %add3A, %mul3A_1 : i32
    "tpu.region"() ({
      %run_scoped3A = tpu.sem_alloc : memref<!tpu.dma_semaphore, #tpu.memory_space<semaphore_mem>>
      tpu.enqueue_dma source(%arg4 : memref<5240xf32, #tpu.memory_space<hbm>>) target(%arg12 : memref<5240xf32, #tpu.memory_space<vmem>>) target_semaphore(%run_scoped3A : memref<!tpu.dma_semaphore, #tpu.memory_space<semaphore_mem>>)
      tpu.wait_dma2 semaphore(%run_scoped3A : memref<!tpu.dma_semaphore, #tpu.memory_space<semaphore_mem>>) src(%arg4 : memref<5240xf32, #tpu.memory_space<hbm>>) dst(%arg12 : memref<5240xf32, #tpu.memory_space<vmem>>)
      tpu.yield
    }) : () -> ()
    %scan3A = arith.constant 0 : i32
    %scan3A_3 = arith.constant 0 : i32
    %scan3A_4 = arith.constant 20 : i32
    %scan3A_5 = arith.addi %scan3A_3, %scan3A_4 : i32
    %scan3A_6 = arith.constant 1 : i32
    scf.for %scan3A_41 = %scan3A_3 to %scan3A_5 step %scan3A_6  : i32 {
      %mul3A_42 = arith.constant 80 : i32
      %mul3A_43 = arith.muli %scan3A_41, %mul3A_42 : i32
      %add3A_44 = arith.addi %mul3A_2, %mul3A_43 : i32
      %rem3A = arith.constant 2 : i32
      %rem3A_45 = arith.remsi %scan3A_41, %rem3A : i32
      "tpu.region"() ({
        %run_scoped3A = tpu.sem_alloc : memref<!tpu.dma_semaphore, #tpu.memory_space<semaphore_mem>>
        %dma_start3A_121 = tpu.memref_slice %arg2[%add3A_44] : memref<51200xi32, #tpu.memory_space<hbm>> -> memref<80xi32, #tpu.memory_space<hbm>>
        %dma_start3A_122 = tpu.memref_slice %arg2[%add3A_44] : memref<51200xi32, #tpu.memory_space<hbm>> -> memref<80xi32, #tpu.memory_space<hbm>>
        tpu.enqueue_dma source(%dma_start3A_122 : memref<80xi32, #tpu.memory_space<hbm>>) target(%arg7 : memref<80xi32, #tpu.memory_space<vmem>>) target_semaphore(%run_scoped3A : memref<!tpu.dma_semaphore, #tpu.memory_space<semaphore_mem>>)
        %dma_wait3A_123 = tpu.memref_slice %arg2[%add3A_44] : memref<51200xi32, #tpu.memory_space<hbm>> -> memref<80xi32, #tpu.memory_space<hbm>>
        %dma_wait3A_124 = tpu.memref_slice %arg2[%add3A_44] : memref<51200xi32, #tpu.memory_space<hbm>> -> memref<80xi32, #tpu.memory_space<hbm>>
        tpu.wait_dma2 semaphore(%run_scoped3A : memref<!tpu.dma_semaphore, #tpu.memory_space<semaphore_mem>>) src(%dma_wait3A_124 : memref<80xi32, #tpu.memory_space<hbm>>) dst(%arg7 : memref<80xi32, #tpu.memory_space<vmem>>)
        tpu.yield
      }) : () -> ()
      %scan3A_46 = arith.constant 0 : i32
      %scan3A_47 = arith.constant 0 : i32
      %scan3A_48 = arith.constant 5 : i32
      %scan3A_49 = arith.addi %scan3A_47, %scan3A_48 : i32
      %scan3A_50 = arith.constant 1 : i32
      scf.for %scan3A_121 = %scan3A_47 to %scan3A_49 step %scan3A_50  : i32 {
        %mul3A_122 = arith.constant 16 : i32
        %mul3A_123 = arith.muli %scan3A_121, %mul3A_122 : i32
        %get3A = arith.index_cast %mul3A_123 : i32 to index
        %get3A_124 = tpu.vector_load %arg7[%get3A] {strides = array<i32>} : memref<80xi32, #tpu.memory_space<vmem>>, vector<16xi32>,
        %mul3A_125 = arith.constant 21 : i32
        %mul3A_126 = vector.broadcast %mul3A_125 : i32 to vector<16xi32>
        %mul3A_127 = arith.muli %get3A_124, %mul3A_126 : vector<16xi32>
        %mul3A_128 = arith.constant 7 : i32
        %mul3A_129 = vector.broadcast %mul3A_128 : i32 to vector<16xi32>
        %mul3A_130 = arith.muli %get3A_124, %mul3A_129 : vector<16xi32>
        %shift_right_logical3A = arith.constant 3 : i32
        %shift_right_logical3A_131 = vector.broadcast %shift_right_logical3A : i32 to vector<16xi32>
        %shift_right_logical3A_132 = arith.shrui %mul3A_130, %shift_right_logical3A_131 : vector<16xi32>
        %mul3A_133 = arith.constant 16 : i32
        %mul3A_134 = arith.muli %scan3A_121, %mul3A_133 : i32
        %swap3A = arith.constant 0 : i32
        %swap3A_135 = arith.index_cast %swap3A : i32 to index
        %swap3A_136 = arith.index_cast %mul3A_134 : i32 to index
        %swap3A_137 = tpu.vector_load %arg8[%swap3A_135, %swap3A_136] {strides = array<i32>} : memref<2x80xi32, #tpu.memory_space<vmem>>, vector<16xi32>,
        tpu.vector_store %arg8[%swap3A_135, %swap3A_136], %shift_right_logical3A_132 {strides = array<i32>} : memref<2x80xi32, #tpu.memory_space<vmem>>, vector<16xi32>,
        %add3A_138 = arith.constant 1 : i32
        %add3A_139 = vector.broadcast %add3A_138 : i32 to vector<16xi32>
        %add3A_140 = arith.addi %shift_right_logical3A_132, %add3A_139 : vector<16xi32>
        %min3A = arith.constant 87499 : i32
        %min3A_141 = vector.broadcast %min3A : i32 to vector<16xi32>
        %min3A_142 = arith.minsi %add3A_140, %min3A_141 : vector<16xi32>
        %mul3A_143 = arith.constant 16 : i32
        %mul3A_144 = arith.muli %scan3A_121, %mul3A_143 : i32
        %swap3A_145 = arith.constant 1 : i32
        %swap3A_146 = arith.index_cast %swap3A_145 : i32 to index
        %swap3A_147 = arith.index_cast %mul3A_144 : i32 to index
        %swap3A_148 = tpu.vector_load %arg8[%swap3A_146, %swap3A_147] {strides = array<i32>} : memref<2x80xi32, #tpu.memory_space<vmem>>, vector<16xi32>,
        tpu.vector_store %arg8[%swap3A_146, %swap3A_147], %min3A_142 {strides = array<i32>} : memref<2x80xi32, #tpu.memory_space<vmem>>, vector<16xi32>,
        %mul3A_149 = arith.constant 24 : i32
        %mul3A_150 = vector.broadcast %mul3A_149 : i32 to vector<16xi32>
        %mul3A_151 = arith.muli %shift_right_logical3A_132, %mul3A_150 : vector<16xi32>
        %sub3A = arith.subi %mul3A_127, %mul3A_151 : vector<16xi32>
        %mul3A_152 = arith.constant 16 : i32
        %mul3A_153 = arith.muli %scan3A_121, %mul3A_152 : i32
        %swap3A_154 = arith.index_cast %mul3A_153 : i32 to index
        %swap3A_155 = tpu.vector_load %arg9[%swap3A_154] {strides = array<i32>} : memref<80xi32, #tpu.memory_space<vmem>>, vector<16xi32>,
        tpu.vector_store %arg9[%swap3A_154], %sub3A {strides = array<i32>} : memref<80xi32, #tpu.memory_space<vmem>>, vector<16xi32>,
      }
      %scan3A_51 = arith.constant 5 : i32
      %dma_start3A = arith.constant 0 : i32
      %dma_start3A_52 = arith.constant 0 : i32
      %dma_start3A_53 = arith.constant 0 : i32
      %dma_start3A_54 = tpu.memref_slice %arg10[%dma_start3A_52, %dma_start3A_53] : memref<160x24xi32, #tpu.memory_space<vmem>> -> memref<80x24xi32, #tpu.memory_space<vmem>>
      %dma_start3A_55 = arith.constant 0 : i32
      %dma_start3A_56 = tpu.memref_slice %arg8[%dma_start3A, %dma_start3A_55] : memref<2x80xi32, #tpu.memory_space<vmem>> -> memref<1x80xi32, #tpu.memory_space<vmem>>
      %dma_start3A_57 = tpu.memref_squeeze %dma_start3A_56 : memref<1x80xi32, #tpu.memory_space<vmem>> -> memref<80xi32, #tpu.memory_space<vmem>>
      %dma_start3A_58 = arith.constant 0 : i32
      %dma_start3A_59 = arith.constant 0 : i32
      %dma_start3A_60 = tpu.memref_slice %arg3[%dma_start3A_58, %dma_start3A_59] : memref<87500x24xi32, #tpu.memory_space<hbm>> -> memref<87500x24xi32, #tpu.memory_space<hbm>>
      tpu.enqueue_indirect_dma source(%dma_start3A_60 : memref<87500x24xi32, #tpu.memory_space<hbm>>) target(%dma_start3A_54 : memref<80x24xi32, #tpu.memory_space<vmem>>) offsets(%dma_start3A_57 : memref<80xi32, #tpu.memory_space<vmem>>) semaphore(%arg14 : memref<!tpu.dma_semaphore, #tpu.memory_space<semaphore_mem>>)
      %dma_start3A_61 = arith.constant 1 : i32
      %dma_start3A_62 = arith.constant 80 : i32
      %dma_start3A_63 = arith.constant 0 : i32
      %dma_start3A_64 = tpu.memref_slice %arg10[%dma_start3A_62, %dma_start3A_63] : memref<160x24xi32, #tpu.memory_space<vmem>> -> memref<80x24xi32, #tpu.memory_space<vmem>>
      %dma_start3A_65 = arith.constant 0 : i32
      %dma_start3A_66 = tpu.memref_slice %arg8[%dma_start3A_61, %dma_start3A_65] : memref<2x80xi32, #tpu.memory_space<vmem>> -> memref<1x80xi32, #tpu.memory_space<vmem>>
      %dma_start3A_67 = tpu.memref_squeeze %dma_start3A_66 : memref<1x80xi32, #tpu.memory_space<vmem>> -> memref<80xi32, #tpu.memory_space<vmem>>
      %dma_start3A_68 = arith.constant 0 : i32
      %dma_start3A_69 = arith.constant 0 : i32
      %dma_start3A_70 = tpu.memref_slice %arg3[%dma_start3A_68, %dma_start3A_69] : memref<87500x24xi32, #tpu.memory_space<hbm>> -> memref<87500x24xi32, #tpu.memory_space<hbm>>
      tpu.enqueue_indirect_dma source(%dma_start3A_70 : memref<87500x24xi32, #tpu.memory_space<hbm>>) target(%dma_start3A_64 : memref<80x24xi32, #tpu.memory_space<vmem>>) offsets(%dma_start3A_67 : memref<80xi32, #tpu.memory_space<vmem>>) semaphore(%arg14 : memref<!tpu.dma_semaphore, #tpu.memory_space<semaphore_mem>>)
      %dma_wait3A_71 = arith.constant 0 : i32
      %dma_wait3A_72 = arith.constant 0 : i32
      %dma_wait3A_73 = arith.constant 0 : i32
      %dma_wait3A_74 = tpu.memref_slice %arg10[%dma_wait3A_72, %dma_wait3A_73] : memref<160x24xi32, #tpu.memory_space<vmem>> -> memref<80x24xi32, #tpu.memory_space<vmem>>
      %dma_wait3A_75 = arith.constant 0 : i32
      %dma_wait3A_76 = tpu.memref_slice %arg8[%dma_wait3A_71, %dma_wait3A_75] : memref<2x80xi32, #tpu.memory_space<vmem>> -> memref<1x80xi32, #tpu.memory_space<vmem>>
      %dma_wait3A_77 = tpu.memref_squeeze %dma_wait3A_76 : memref<1x80xi32, #tpu.memory_space<vmem>> -> memref<80xi32, #tpu.memory_space<vmem>>
      %dma_wait3A_78 = arith.constant 0 : i32
      %dma_wait3A_79 = arith.constant 0 : i32
      %dma_wait3A_80 = tpu.memref_slice %arg3[%dma_wait3A_78, %dma_wait3A_79] : memref<87500x24xi32, #tpu.memory_space<hbm>> -> memref<87500x24xi32, #tpu.memory_space<hbm>>
      tpu.wait_indirect_dma semaphore(%arg14 : memref<!tpu.dma_semaphore, #tpu.memory_space<semaphore_mem>>) src(%dma_wait3A_80 : memref<87500x24xi32, #tpu.memory_space<hbm>>) dst(%dma_wait3A_74 : memref<80x24xi32, #tpu.memory_space<vmem>>)
      %dma_wait3A_81 = arith.constant 1 : i32
      %dma_wait3A_82 = arith.constant 80 : i32
      %dma_wait3A_83 = arith.constant 0 : i32
      %dma_wait3A_84 = tpu.memref_slice %arg10[%dma_wait3A_82, %dma_wait3A_83] : memref<160x24xi32, #tpu.memory_space<vmem>> -> memref<80x24xi32, #tpu.memory_space<vmem>>
      %dma_wait3A_85 = arith.constant 0 : i32
      %dma_wait3A_86 = tpu.memref_slice %arg8[%dma_wait3A_81, %dma_wait3A_85] : memref<2x80xi32, #tpu.memory_space<vmem>> -> memref<1x80xi32, #tpu.memory_space<vmem>>
      %dma_wait3A_87 = tpu.memref_squeeze %dma_wait3A_86 : memref<1x80xi32, #tpu.memory_space<vmem>> -> memref<80xi32, #tpu.memory_space<vmem>>
      %dma_wait3A_88 = arith.constant 0 : i32
      %dma_wait3A_89 = arith.constant 0 : i32
      %dma_wait3A_90 = tpu.memref_slice %arg3[%dma_wait3A_88, %dma_wait3A_89] : memref<87500x24xi32, #tpu.memory_space<hbm>> -> memref<87500x24xi32, #tpu.memory_space<hbm>>
      tpu.wait_indirect_dma semaphore(%arg14 : memref<!tpu.dma_semaphore, #tpu.memory_space<semaphore_mem>>) src(%dma_wait3A_90 : memref<87500x24xi32, #tpu.memory_space<hbm>>) dst(%dma_wait3A_84 : memref<80x24xi32, #tpu.memory_space<vmem>>)
      %scan3A_91 = arith.constant 0 : i32
      %scan3A_92 = arith.constant 0 : i32
      %scan3A_93 = arith.constant 5 : i32
      %scan3A_94 = arith.addi %scan3A_92, %scan3A_93 : i32
      %scan3A_95 = arith.constant 1 : i32
      scf.for %scan3A_121 = %scan3A_92 to %scan3A_94 step %scan3A_95  : i32 {
        %iota3A = tpu.iota {dimensions = array<i32: 0>} : vector<16xi32>
        %mul3A_122 = arith.constant 16 : i32
        %mul3A_123 = arith.muli %scan3A_121, %mul3A_122 : i32
        %add3A_124 = vector.broadcast %mul3A_123 : i32 to vector<16xi32>
        %add3A_125 = arith.addi %add3A_124, %iota3A : vector<16xi32>
        %gather3A = tpu.vector_load_idx %arg9[%add3A_125] : memref<80xi32, #tpu.memory_space<vmem>>[vector<16xi32>], vector<16xi32>,
        %add3A_126 = arith.constant 20 : i32
        %add3A_127 = vector.broadcast %add3A_126 : i32 to vector<16xi32>
        %add3A_128 = arith.addi %gather3A, %add3A_127 : vector<16xi32>
        %mul3A_129 = arith.constant 2731 : i32
        %mul3A_130 = vector.broadcast %mul3A_129 : i32 to vector<16xi32>
        %mul3A_131 = arith.muli %add3A_128, %mul3A_130 : vector<16xi32>
        %shift_right_logical3A = arith.constant 16 : i32
        %shift_right_logical3A_132 = vector.broadcast %shift_right_logical3A : i32 to vector<16xi32>
        %shift_right_logical3A_133 = arith.shrui %mul3A_131, %shift_right_logical3A_132 : vector<16xi32>
        %mul3A_134 = arith.constant 24 : i32
        %mul3A_135 = vector.broadcast %mul3A_134 : i32 to vector<16xi32>
        %mul3A_136 = arith.muli %shift_right_logical3A_133, %mul3A_135 : vector<16xi32>
        %sub3A = arith.subi %add3A_128, %mul3A_136 : vector<16xi32>
        %mul3A_137 = arith.constant 80 : i32
        %mul3A_138 = vector.broadcast %mul3A_137 : i32 to vector<16xi32>
        %mul3A_139 = arith.muli %shift_right_logical3A_133, %mul3A_138 : vector<16xi32>
        %add3A_140 = arith.addi %mul3A_139, %add3A_125 : vector<16xi32>
        %gather3A_141 = tpu.vector_load_idx %arg10[%add3A_140, %sub3A] : memref<160x24xi32, #tpu.memory_space<vmem>>[vector<16xi32>, vector<16xi32>], vector<16xi32>,
        %mul3A_142 = arith.constant 80 : i32
        %mul3A_143 = arith.muli %scan3A_41, %mul3A_142 : i32
        %mul3A_144 = arith.constant 16 : i32
        %mul3A_145 = arith.muli %scan3A_121, %mul3A_144 : i32
        %add3A_146 = arith.addi %mul3A_143, %mul3A_145 : i32
        %swap3A = arith.index_cast %add3A_146 : i32 to index
        %swap3A_147 = tpu.vector_load %arg11[%swap3A] {strides = array<i32>} : memref<1600xi32, #tpu.memory_space<vmem>>, vector<16xi32>,
        tpu.vector_store %arg11[%swap3A], %gather3A_141 {strides = array<i32>} : memref<1600xi32, #tpu.memory_space<vmem>>, vector<16xi32>,
      }
      %scan3A_96 = arith.constant 5 : i32
      %scan3A_97 = arith.constant 0 : i32
      %scan3A_98 = arith.constant 0 : i32
      %scan3A_99 = arith.constant 100 : i32
      %scan3A_100 = arith.addi %scan3A_98, %scan3A_99 : i32
      %scan3A_101 = arith.constant 1 : i32
      scf.for %scan3A_121 = %scan3A_98 to %scan3A_100 step %scan3A_101  : i32 {
        %jit3A = arith.constant 5 : i32
        %div3A = arith.divsi %scan3A_121, %jit3A : i32
        %sign3A = arith.constant 0 : i32
        %sign3A_122 = arith.cmpi sgt, %scan3A_121, %sign3A : i32
        %sign3A_123 = arith.extui %sign3A_122 : i1 to i32
        %sign3A_124 = arith.constant 0 : i32
        %sign3A_125 = arith.cmpi slt, %scan3A_121, %sign3A_124 : i32
        %sign3A_126 = arith.extui %sign3A_125 : i1 to i32
        %sign3A_127 = arith.subi %sign3A_123, %sign3A_126 : i32
        %sign3A_128 = arith.constant 0 : i32
        %sign3A_129 = arith.cmpi sgt, %jit3A, %sign3A_128 : i32
        %sign3A_130 = arith.extui %sign3A_129 : i1 to i32
        %sign3A_131 = arith.constant 0 : i32
        %sign3A_132 = arith.cmpi slt, %jit3A, %sign3A_131 : i32
        %sign3A_133 = arith.extui %sign3A_132 : i1 to i32
        %sign3A_134 = arith.subi %sign3A_130, %sign3A_133 : i32
        %ne3A = arith.cmpi ne, %sign3A_127, %sign3A_134 : i32
        %rem3A_135 = arith.remsi %scan3A_121, %jit3A : i32
        %ne3A_136 = arith.constant 0 : i32
        %ne3A_137 = arith.cmpi ne, %rem3A_135, %ne3A_136 : i32
        %and3A = arith.andi %ne3A, %ne3A_137 : i1
        %sub3A = arith.constant 1 : i32
        %sub3A_138 = arith.subi %div3A, %sub3A : i32
        %select_n3A = arith.select %and3A, %sub3A_138, %div3A : i32
        %mul3A_139 = arith.constant 5 : i32
        %mul3A_140 = arith.muli %select_n3A, %mul3A_139 : i32
        %sub3A_141 = arith.subi %scan3A_121, %mul3A_140 : i32
        %iota3A = tpu.iota {dimensions = array<i32: 0>} : vector<16xi32>
        %mul3A_142 = arith.constant 16 : i32
        %mul3A_143 = arith.muli %sub3A_141, %mul3A_142 : i32
        %add3A_144 = vector.broadcast %mul3A_143 : i32 to vector<16xi32>
        %add3A_145 = arith.addi %add3A_144, %iota3A : vector<16xi32>
        %gather3A = tpu.vector_load_idx %arg9[%add3A_145] : memref<80xi32, #tpu.memory_space<vmem>>[vector<16xi32>], vector<16xi32>,
        %add3A_146 = vector.broadcast %select_n3A : i32 to vector<16xi32>
        %add3A_147 = arith.addi %gather3A, %add3A_146 : vector<16xi32>
        %mul3A_148 = arith.constant 2731 : i32
        %mul3A_149 = vector.broadcast %mul3A_148 : i32 to vector<16xi32>
        %mul3A_150 = arith.muli %add3A_147, %mul3A_149 : vector<16xi32>
        %shift_right_logical3A = arith.constant 16 : i32
        %shift_right_logical3A_151 = vector.broadcast %shift_right_logical3A : i32 to vector<16xi32>
        %shift_right_logical3A_152 = arith.shrui %mul3A_150, %shift_right_logical3A_151 : vector<16xi32>
        %mul3A_153 = arith.constant 24 : i32
        %mul3A_154 = vector.broadcast %mul3A_153 : i32 to vector<16xi32>
        %mul3A_155 = arith.muli %shift_right_logical3A_152, %mul3A_154 : vector<16xi32>
        %sub3A_156 = arith.subi %add3A_147, %mul3A_155 : vector<16xi32>
        %mul3A_157 = arith.constant 80 : i32
        %mul3A_158 = vector.broadcast %mul3A_157 : i32 to vector<16xi32>
        %mul3A_159 = arith.muli %shift_right_logical3A_152, %mul3A_158 : vector<16xi32>
        %add3A_160 = arith.addi %mul3A_159, %add3A_145 : vector<16xi32>
        %gather3A_161 = tpu.vector_load_idx %arg10[%add3A_160, %sub3A_156] : memref<160x24xi32, #tpu.memory_space<vmem>>[vector<16xi32>, vector<16xi32>], vector<16xi32>,
        %mul3A_162 = arith.constant 20 : i32
        %mul3A_163 = vector.broadcast %mul3A_162 : i32 to vector<16xi32>
        %mul3A_164 = arith.muli %gather3A_161, %mul3A_163 : vector<16xi32>
        %scan3A_165 = arith.constant 0 : i32
        %scan3A_166 = arith.constant 0 : i32
        %scan3A_167 = arith.constant 20 : i32
        %scan3A_168 = arith.addi %scan3A_166, %scan3A_167 : i32
        %scan3A_169 = arith.constant 5 : i32
        scf.for %scan3A_171 = %scan3A_166 to %scan3A_168 step %scan3A_169  : i32 {
          %add3A_172 = vector.broadcast %scan3A_171 : i32 to vector<16xi32>
          %add3A_173 = arith.addi %mul3A_164, %add3A_172 : vector<16xi32>
          %gather3A_174 = tpu.vector_load_idx %arg12[%add3A_173] : memref<5240xf32, #tpu.memory_space<vmem>>[vector<16xi32>], vector<16xf32>,
          %mul3A_175 = arith.constant 16 : i32
          %mul3A_176 = arith.muli %sub3A_141, %mul3A_175 : i32
          %swap3A = arith.index_cast %rem3A_45 : i32 to index
          %swap3A_177 = arith.index_cast %select_n3A : i32 to index
          %swap3A_178 = arith.index_cast %scan3A_171 : i32 to index
          %swap3A_179 = arith.index_cast %mul3A_176 : i32 to index
          %swap3A_180 = tpu.vector_load %arg13[%swap3A, %swap3A_177, %swap3A_178, %swap3A_179] {strides = array<i32>} : memref<2x20x24x80xf32, #tpu.memory_space<vmem>>, vector<16xf32>,
          tpu.vector_store %arg13[%swap3A, %swap3A_177, %swap3A_178, %swap3A_179], %gather3A_174 {strides = array<i32>} : memref<2x20x24x80xf32, #tpu.memory_space<vmem>>, vector<16xf32>,
          %scan3A_181 = arith.constant 1 : i32
          %scan3A_182 = arith.addi %scan3A_171, %scan3A_181 : i32
          %add3A_183 = vector.broadcast %scan3A_182 : i32 to vector<16xi32>
          %add3A_184 = arith.addi %mul3A_164, %add3A_183 : vector<16xi32>
          %gather3A_185 = tpu.vector_load_idx %arg12[%add3A_184] : memref<5240xf32, #tpu.memory_space<vmem>>[vector<16xi32>], vector<16xf32>,
          %mul3A_186 = arith.constant 16 : i32
          %mul3A_187 = arith.muli %sub3A_141, %mul3A_186 : i32
          %swap3A_188 = arith.index_cast %rem3A_45 : i32 to index
          %swap3A_189 = arith.index_cast %select_n3A : i32 to index
          %swap3A_190 = arith.index_cast %scan3A_182 : i32 to index
          %swap3A_191 = arith.index_cast %mul3A_187 : i32 to index
          %swap3A_192 = tpu.vector_load %arg13[%swap3A_188, %swap3A_189, %swap3A_190, %swap3A_191] {strides = array<i32>} : memref<2x20x24x80xf32, #tpu.memory_space<vmem>>, vector<16xf32>,
          tpu.vector_store %arg13[%swap3A_188, %swap3A_189, %swap3A_190, %swap3A_191], %gather3A_185 {strides = array<i32>} : memref<2x20x24x80xf32, #tpu.memory_space<vmem>>, vector<16xf32>,
          %scan3A_193 = arith.constant 2 : i32
          %scan3A_194 = arith.addi %scan3A_171, %scan3A_193 : i32
          %add3A_195 = vector.broadcast %scan3A_194 : i32 to vector<16xi32>
          %add3A_196 = arith.addi %mul3A_164, %add3A_195 : vector<16xi32>
          %gather3A_197 = tpu.vector_load_idx %arg12[%add3A_196] : memref<5240xf32, #tpu.memory_space<vmem>>[vector<16xi32>], vector<16xf32>,
          %mul3A_198 = arith.constant 16 : i32
          %mul3A_199 = arith.muli %sub3A_141, %mul3A_198 : i32
          %swap3A_200 = arith.index_cast %rem3A_45 : i32 to index
          %swap3A_201 = arith.index_cast %select_n3A : i32 to index
          %swap3A_202 = arith.index_cast %scan3A_194 : i32 to index
          %swap3A_203 = arith.index_cast %mul3A_199 : i32 to index
          %swap3A_204 = tpu.vector_load %arg13[%swap3A_200, %swap3A_201, %swap3A_202, %swap3A_203] {strides = array<i32>} : memref<2x20x24x80xf32, #tpu.memory_space<vmem>>, vector<16xf32>,
          tpu.vector_store %arg13[%swap3A_200, %swap3A_201, %swap3A_202, %swap3A_203], %gather3A_197 {strides = array<i32>} : memref<2x20x24x80xf32, #tpu.memory_space<vmem>>, vector<16xf32>,
          %scan3A_205 = arith.constant 3 : i32
          %scan3A_206 = arith.addi %scan3A_171, %scan3A_205 : i32
          %add3A_207 = vector.broadcast %scan3A_206 : i32 to vector<16xi32>
          %add3A_208 = arith.addi %mul3A_164, %add3A_207 : vector<16xi32>
          %gather3A_209 = tpu.vector_load_idx %arg12[%add3A_208] : memref<5240xf32, #tpu.memory_space<vmem>>[vector<16xi32>], vector<16xf32>,
          %mul3A_210 = arith.constant 16 : i32
          %mul3A_211 = arith.muli %sub3A_141, %mul3A_210 : i32
          %swap3A_212 = arith.index_cast %rem3A_45 : i32 to index
          %swap3A_213 = arith.index_cast %select_n3A : i32 to index
          %swap3A_214 = arith.index_cast %scan3A_206 : i32 to index
          %swap3A_215 = arith.index_cast %mul3A_211 : i32 to index
          %swap3A_216 = tpu.vector_load %arg13[%swap3A_212, %swap3A_213, %swap3A_214, %swap3A_215] {strides = array<i32>} : memref<2x20x24x80xf32, #tpu.memory_space<vmem>>, vector<16xf32>,
          tpu.vector_store %arg13[%swap3A_212, %swap3A_213, %swap3A_214, %swap3A_215], %gather3A_209 {strides = array<i32>} : memref<2x20x24x80xf32, #tpu.memory_space<vmem>>, vector<16xf32>,
          %scan3A_217 = arith.constant 4 : i32
          %scan3A_218 = arith.addi %scan3A_171, %scan3A_217 : i32
          %add3A_219 = vector.broadcast %scan3A_218 : i32 to vector<16xi32>
          %add3A_220 = arith.addi %mul3A_164, %add3A_219 : vector<16xi32>
          %gather3A_221 = tpu.vector_load_idx %arg12[%add3A_220] : memref<5240xf32, #tpu.memory_space<vmem>>[vector<16xi32>], vector<16xf32>,
          %mul3A_222 = arith.constant 16 : i32
          %mul3A_223 = arith.muli %sub3A_141, %mul3A_222 : i32
          %swap3A_224 = arith.index_cast %rem3A_45 : i32 to index
          %swap3A_225 = arith.index_cast %select_n3A : i32 to index
          %swap3A_226 = arith.index_cast %scan3A_218 : i32 to index
          %swap3A_227 = arith.index_cast %mul3A_223 : i32 to index
          %swap3A_228 = tpu.vector_load %arg13[%swap3A_224, %swap3A_225, %swap3A_226, %swap3A_227] {strides = array<i32>} : memref<2x20x24x80xf32, #tpu.memory_space<vmem>>, vector<16xf32>,
          tpu.vector_store %arg13[%swap3A_224, %swap3A_225, %swap3A_226, %swap3A_227], %gather3A_221 {strides = array<i32>} : memref<2x20x24x80xf32, #tpu.memory_space<vmem>>, vector<16xf32>,
        }
        %scan3A_170 = arith.constant 20 : i32
      }
      %scan3A_102 = arith.constant 100 : i32
      %ge3A = arith.constant 2 : i32
      %ge3A_103 = arith.cmpi sge, %scan3A_41, %ge3A : i32
      %convert_element_type3A = arith.extui %ge3A_103 : i1 to i32
      %cond3A = arith.constant 0 : i32
      %cond3A_104 = arith.cmpi ne, %convert_element_type3A, %cond3A : i32
      scf.if %cond3A_104 {
        %dma_wait3A_121 = arith.constant 0 : i32
        %dma_wait3A_122 = arith.constant 0 : i32
        %dma_wait3A_123 = arith.constant 0 : i32
        %dma_wait3A_124 = tpu.memref_slice %arg13[%rem3A_45, %dma_wait3A_121, %dma_wait3A_122, %dma_wait3A_123] : memref<2x20x24x80xf32, #tpu.memory_space<vmem>> -> memref<1x20x24x80xf32, #tpu.memory_space<vmem>>
        %dma_wait3A_125 = tpu.memref_squeeze %dma_wait3A_124 : memref<1x20x24x80xf32, #tpu.memory_space<vmem>> -> memref<20x24x80xf32, #tpu.memory_space<vmem>>
        %dma_wait3A_126 = arith.constant 0 : i32
        %dma_wait3A_127 = arith.constant 0 : i32
        %dma_wait3A_128 = tpu.memref_slice %arg5[%dma_wait3A_126, %dma_wait3A_127, %mul3A_2] : memref<20x24x51200xf32, #tpu.memory_space<hbm>> -> memref<20x24x80xf32, #tpu.memory_space<hbm>>
        %dma_wait3A_129 = arith.constant 0 : i32
        %dma_wait3A_130 = arith.constant 0 : i32
        %dma_wait3A_131 = arith.constant 0 : i32
        %dma_wait3A_132 = tpu.memref_slice %arg13[%rem3A_45, %dma_wait3A_129, %dma_wait3A_130, %dma_wait3A_131] : memref<2x20x24x80xf32, #tpu.memory_space<vmem>> -> memref<1x20x24x80xf32, #tpu.memory_space<vmem>>
        %dma_wait3A_133 = tpu.memref_squeeze %dma_wait3A_132 : memref<1x20x24x80xf32, #tpu.memory_space<vmem>> -> memref<20x24x80xf32, #tpu.memory_space<vmem>>
        %dma_wait3A_134 = arith.constant 0 : i32
        %dma_wait3A_135 = arith.constant 0 : i32
        %dma_wait3A_136 = tpu.memref_slice %arg5[%dma_wait3A_134, %dma_wait3A_135, %mul3A_2] : memref<20x24x51200xf32, #tpu.memory_space<hbm>> -> memref<20x24x80xf32, #tpu.memory_space<hbm>>
        tpu.wait_dma2 semaphore(%arg15 : memref<!tpu.dma_semaphore, #tpu.memory_space<semaphore_mem>>) src(%dma_wait3A_136 : memref<20x24x80xf32, #tpu.memory_space<hbm>>) dst(%dma_wait3A_133 : memref<20x24x80xf32, #tpu.memory_space<vmem>>)
      } else {
      }
      %dma_start3A_105 = arith.constant 0 : i32
      %dma_start3A_106 = arith.constant 0 : i32
      %dma_start3A_107 = arith.constant 0 : i32
      %dma_start3A_108 = tpu.memref_slice %arg13[%rem3A_45, %dma_start3A_105, %dma_start3A_106, %dma_start3A_107] : memref<2x20x24x80xf32, #tpu.memory_space<vmem>> -> memref<1x20x24x80xf32, #tpu.memory_space<vmem>>
      %dma_start3A_109 = tpu.memref_squeeze %dma_start3A_108 : memref<1x20x24x80xf32, #tpu.memory_space<vmem>> -> memref<20x24x80xf32, #tpu.memory_space<vmem>>
      %dma_start3A_110 = arith.constant 0 : i32
      %dma_start3A_111 = arith.constant 0 : i32
      %dma_start3A_112 = tpu.memref_slice %arg5[%dma_start3A_110, %dma_start3A_111, %add3A_44] : memref<20x24x51200xf32, #tpu.memory_space<hbm>> -> memref<20x24x80xf32, #tpu.memory_space<hbm>>
      %dma_start3A_113 = arith.constant 0 : i32
      %dma_start3A_114 = arith.constant 0 : i32
      %dma_start3A_115 = tpu.memref_slice %arg5[%dma_start3A_113, %dma_start3A_114, %add3A_44] : memref<20x24x51200xf32, #tpu.memory_space<hbm>> -> memref<20x24x80xf32, #tpu.memory_space<hbm>>
      %dma_start3A_116 = arith.constant 0 : i32
      %dma_start3A_117 = arith.constant 0 : i32
      %dma_start3A_118 = arith.constant 0 : i32
      %dma_start3A_119 = tpu.memref_slice %arg13[%rem3A_45, %dma_start3A_116, %dma_start3A_117, %dma_start3A_118] : memref<2x20x24x80xf32, #tpu.memory_space<vmem>> -> memref<1x20x24x80xf32, #tpu.memory_space<vmem>>
      %dma_start3A_120 = tpu.memref_squeeze %dma_start3A_119 : memref<1x20x24x80xf32, #tpu.memory_space<vmem>> -> memref<20x24x80xf32, #tpu.memory_space<vmem>>
      tpu.enqueue_dma source(%dma_start3A_120 : memref<20x24x80xf32, #tpu.memory_space<vmem>>) target(%dma_start3A_115 : memref<20x24x80xf32, #tpu.memory_space<hbm>>) target_semaphore(%arg15 : memref<!tpu.dma_semaphore, #tpu.memory_space<semaphore_mem>>)
    }
    %scan3A_7 = arith.constant 20 : i32
    %dma_wait3A = arith.constant 0 : i32
    %dma_wait3A_8 = arith.constant 0 : i32
    %dma_wait3A_9 = arith.constant 0 : i32
    %dma_wait3A_10 = arith.constant 0 : i32
    %dma_wait3A_11 = tpu.memref_slice %arg13[%dma_wait3A, %dma_wait3A_8, %dma_wait3A_9, %dma_wait3A_10] : memref<2x20x24x80xf32, #tpu.memory_space<vmem>> -> memref<1x20x24x80xf32, #tpu.memory_space<vmem>>
    %dma_wait3A_12 = tpu.memref_squeeze %dma_wait3A_11 : memref<1x20x24x80xf32, #tpu.memory_space<vmem>> -> memref<20x24x80xf32, #tpu.memory_space<vmem>>
    %dma_wait3A_13 = arith.constant 0 : i32
    %dma_wait3A_14 = arith.constant 0 : i32
    %dma_wait3A_15 = tpu.memref_slice %arg5[%dma_wait3A_13, %dma_wait3A_14, %mul3A_2] : memref<20x24x51200xf32, #tpu.memory_space<hbm>> -> memref<20x24x80xf32, #tpu.memory_space<hbm>>
    %dma_wait3A_16 = arith.constant 0 : i32
    %dma_wait3A_17 = arith.constant 0 : i32
    %dma_wait3A_18 = arith.constant 0 : i32
    %dma_wait3A_19 = tpu.memref_slice %arg13[%dma_wait3A, %dma_wait3A_16, %dma_wait3A_17, %dma_wait3A_18] : memref<2x20x24x80xf32, #tpu.memory_space<vmem>> -> memref<1x20x24x80xf32, #tpu.memory_space<vmem>>
    %dma_wait3A_20 = tpu.memref_squeeze %dma_wait3A_19 : memref<1x20x24x80xf32, #tpu.memory_space<vmem>> -> memref<20x24x80xf32, #tpu.memory_space<vmem>>
    %dma_wait3A_21 = arith.constant 0 : i32
    %dma_wait3A_22 = arith.constant 0 : i32
    %dma_wait3A_23 = tpu.memref_slice %arg5[%dma_wait3A_21, %dma_wait3A_22, %mul3A_2] : memref<20x24x51200xf32, #tpu.memory_space<hbm>> -> memref<20x24x80xf32, #tpu.memory_space<hbm>>
    tpu.wait_dma2 semaphore(%arg15 : memref<!tpu.dma_semaphore, #tpu.memory_space<semaphore_mem>>) src(%dma_wait3A_23 : memref<20x24x80xf32, #tpu.memory_space<hbm>>) dst(%dma_wait3A_20 : memref<20x24x80xf32, #tpu.memory_space<vmem>>)
    %dma_wait3A_24 = arith.constant 0 : i32
    %dma_wait3A_25 = arith.constant 0 : i32
    %dma_wait3A_26 = arith.constant 0 : i32
    %dma_wait3A_27 = arith.constant 0 : i32
    %dma_wait3A_28 = tpu.memref_slice %arg13[%dma_wait3A_24, %dma_wait3A_25, %dma_wait3A_26, %dma_wait3A_27] : memref<2x20x24x80xf32, #tpu.memory_space<vmem>> -> memref<1x20x24x80xf32, #tpu.memory_space<vmem>>
    %dma_wait3A_29 = tpu.memref_squeeze %dma_wait3A_28 : memref<1x20x24x80xf32, #tpu.memory_space<vmem>> -> memref<20x24x80xf32, #tpu.memory_space<vmem>>
    %dma_wait3A_30 = arith.constant 0 : i32
    %dma_wait3A_31 = arith.constant 0 : i32
    %dma_wait3A_32 = tpu.memref_slice %arg5[%dma_wait3A_30, %dma_wait3A_31, %mul3A_2] : memref<20x24x51200xf32, #tpu.memory_space<hbm>> -> memref<20x24x80xf32, #tpu.memory_space<hbm>>
    %dma_wait3A_33 = arith.constant 0 : i32
    %dma_wait3A_34 = arith.constant 0 : i32
    %dma_wait3A_35 = arith.constant 0 : i32
    %dma_wait3A_36 = tpu.memref_slice %arg13[%dma_wait3A_24, %dma_wait3A_33, %dma_wait3A_34, %dma_wait3A_35] : memref<2x20x24x80xf32, #tpu.memory_space<vmem>> -> memref<1x20x24x80xf32, #tpu.memory_space<vmem>>
    %dma_wait3A_37 = tpu.memref_squeeze %dma_wait3A_36 : memref<1x20x24x80xf32, #tpu.memory_space<vmem>> -> memref<20x24x80xf32, #tpu.memory_space<vmem>>
    %dma_wait3A_38 = arith.constant 0 : i32
    %dma_wait3A_39 = arith.constant 0 : i32
    %dma_wait3A_40 = tpu.memref_slice %arg5[%dma_wait3A_38, %dma_wait3A_39, %mul3A_2] : memref<20x24x51200xf32, #tpu.memory_space<hbm>> -> memref<20x24x80xf32, #tpu.memory_space<hbm>>
    tpu.wait_dma2 semaphore(%arg15 : memref<!tpu.dma_semaphore, #tpu.memory_space<semaphore_mem>>) src(%dma_wait3A_40 : memref<20x24x80xf32, #tpu.memory_space<hbm>>) dst(%dma_wait3A_37 : memref<20x24x80xf32, #tpu.memory_space<vmem>>)
    "tpu.region"() ({
      %run_scoped3A = tpu.sem_alloc : memref<!tpu.dma_semaphore, #tpu.memory_space<semaphore_mem>>
      %dma_start3A = tpu.memref_slice %arg6[%mul3A_2] : memref<51200xi32, #tpu.memory_space<hbm>> -> memref<1600xi32, #tpu.memory_space<hbm>>
      %dma_start3A_41 = tpu.memref_slice %arg6[%mul3A_2] : memref<51200xi32, #tpu.memory_space<hbm>> -> memref<1600xi32, #tpu.memory_space<hbm>>
      tpu.enqueue_dma source(%arg11 : memref<1600xi32, #tpu.memory_space<vmem>>) target(%dma_start3A_41 : memref<1600xi32, #tpu.memory_space<hbm>>) target_semaphore(%run_scoped3A : memref<!tpu.dma_semaphore, #tpu.memory_space<semaphore_mem>>)
      %dma_wait3A_42 = tpu.memref_slice %arg6[%mul3A_2] : memref<51200xi32, #tpu.memory_space<hbm>> -> memref<1600xi32, #tpu.memory_space<hbm>>
      %dma_wait3A_43 = tpu.memref_slice %arg6[%mul3A_2] : memref<51200xi32, #tpu.memory_space<hbm>> -> memref<1600xi32, #tpu.memory_space<hbm>>
      tpu.wait_dma2 semaphore(%run_scoped3A : memref<!tpu.dma_semaphore, #tpu.memory_space<semaphore_mem>>) src(%arg11 : memref<1600xi32, #tpu.memory_space<vmem>>) dst(%dma_wait3A_43 : memref<1600xi32, #tpu.memory_space<hbm>>)
      tpu.yield
    }) : () -> ()
    return
  }
}

</mosaic_0001>

<sc_bundles>
// kernel: _char2vec.3.cloned.1.call-start
scs
__scs_entry_jumppad:
0x0: {  	(pc) =	sbr.rel $0x88, $3  }
0x1: {  	(tag) =	ssettag $0x0;
	lr =	simm.s32 $0x1  }
0x2: {  	[smem:$0x3F9E] =	sst lr;
	_ =	strace $0xD0000000  }
0x3: {  	_ = 	snop  }
0x4: {  	_ = 	snop  }
0x5: {  	_ = 	snop  }
0x6: {  	_ = 	snop  }
0x7: {  	_ = 	snop  }
__scs_overlays_trampoline_lowered:
0x8: {  	[smem:$0x3FAD] =	sst s0  }
0x9: {  	[smem:$0x3FAE] =	sst s1  }
0xa: {  	[smem:$0x3FAF] =	sst s2  }
0xb: {  	[smem:$0x3FB0] =	sst s3  }
0xc: {  	[smem:$0x3FB1] =	sst s4  }
0xd: {  	[smem:$0x3FB2] =	sst s5  }
0xe: {  	[smem:$0x3FB3] =	sst s6  }
0xf: {  	[smem:$0x3FB4] =	sst s7  }
0x10: {  	[smem:$0x3FB5] =	sst s8  }
0x11: {  	[smem:$0x3FB6] =	sst s9;
	s0 =	simm.s32 @!p0 $0x0  }
0x12: {  	s1 =	sld [smem:$0x3F9C];
	s0 =	simm.s32 @p0 $0x1  }
0x13: {  	[smem:$0x3FB7] =	sst s0;
	s0 =	simm.s32 @!p1 $0x0  }
0x14: {  	s2 =	sld [smem:$0x3F9B];
	s0 =	simm.s32 @p1 $0x1  }
0x15: {  	[smem:$0x3FB8] =	sst s0;
	s0 =	simm.s32 @!p2 $0x0  }
0x16: {  	s3 =	sld [smem:$0x3FDB];
	s0 =	simm.s32 @p2 $0x1  }
0x17: {  	s4 =	simm.s32 $0x1BF5;
	[smem:$0x3FBA] =	sst s0  }
0x18: {  	s0 =	sld [smem:$0x3F9D];
	_ =	swait.ge [sflag:s4], $0x0  }
0x19: {  	s7 =	sld [smem:$0x3F9E]  }
0x1a: {  	s8 =	sadd.s32 $0xFFFFE003, lr  }
0x1b: {  	s9 =	sadd.s32 $0xFFFFFEF7, lr;
	s5 =	simm.s32 $0xFFFFFFFF;
	p2 =	slt.u32 s8, $0xFFFFF086  }
0x1c: {  	p1 =	slt.u32 s9, $0xF7A;
	s5 =	simm.s32 @!p2 $0x0  }
0x1d: {  	s5 =	simm.s32 @p1 $0x1;
	p0 =	seq.s32 s7, s2  }
0x1e: {  	s7 =	smul.u32 @!p0 $0xF7A, s2;
	p2 =	seq.s32 @!p0 s5, $0x0  }
0x1f: {  	s9 =	smul.u32 $0xF7A, s1;
	s8 =	simm.s32 @!p0 $0x1BF5;
	p2 =	por !p2, p0  }
0x20: {  	[sflag:s8] =	ssyncset.s32 @!p0 $0xFFFFF086;
	s6 =	sadd.s32 @!p0 s3, s7;
	s7 =	simm.s32 @!p0 $0x108  }
0x21: {  	s3 =	sadd.s32 s3, s9;
	s6 =	sadd.s32 @!p0 $0x88, s6;
	s7 =	simm.s32 @p2 $0x1082  }
0x22: {  	[simem:s7], [sflag:s8] =	dma.local @!p0 [hbm:s6], $0xF7A  }
0x23: {  	s9 =	sor.u32 $0xD0000000, s2;
	s6 =	simm.s32 $0x108;
	_ =	swait.ge @!p0 [sflag:s8], $0x0  }
0x24: {  	s3 =	sadd.s32 $0x88, s3;
	s6 =	simm.s32 @!p1 $0x1082;
	[sflag:s4] =	ssyncset.s32 $0xFFFFF086  }
0x25: {  	[simem:s6], [sflag:s4] =	dma.local [hbm:s3], $0xF7A  }
0x26: {  	[smem:$0x3F9E] =	sst s1;
	(tag) =	ssettag s2;
	_ =	strace s9  }
0x27: {  	s1 =	sld [smem:$0x3FAE]  }
0x28: {  	s2 =	sld [smem:$0x3FAF]  }
0x29: {  	s4 =	sld [smem:$0x3FB1]  }
0x2a: {  	p0 =	seq.s32 s5, $0x0;
	s5 =	sld [smem:$0x3FB2]  }
0x2b: {  	s6 =	sld [smem:$0x3FB3]  }
0x2c: {  	s7 =	sld [smem:$0x3FB4]  }
0x2d: {  	s3 =	simm.s32 $0x108;
	s8 =	sld [smem:$0x3FB5]  }
0x2e: {  	s3 =	simm.s32 @!p0 $0x1082;
	s9 =	sld [smem:$0x3FB6]  }
0x2f: {  	lr =	sadd.s32 s0, s3;
	s0 =	sld [smem:$0x3FAD]  }
0x30: {  	s3 =	sld [smem:$0x3FB0]  }
0x31: {  	[smem:$0x3FB9] =	sst s10  }
0x32: {  	s10 =	sld [smem:$0x3FB7];
	_ =	sdelay $0x3  }
0x33: {  	p0 =	seq.s32 s10, $0x1;
	s10 =	sld [smem:$0x3FB9];
	_ =	sdelay $0x3  }
0x34: {  	[smem:$0x3FB9] =	sst s10  }
0x35: {  	s10 =	sld [smem:$0x3FB8];
	_ =	sdelay $0x3  }
0x36: {  	p1 =	seq.s32 s10, $0x1;
	s10 =	sld [smem:$0x3FB9];
	_ =	sdelay $0x3  }
0x37: {  	[smem:$0x3FB9] =	sst s10  }
0x38: {  	s10 =	sld [smem:$0x3FBA]  }
0x39: {  	_ = 	snop;
	(pc) =	sbr.ind lr, $3  }
0x3a: {  	_ = 	snop  }
0x3b: {  	_ = 	snop  }
0x3c: {  	p2 =	seq.s32 s10, $0x1;
	s10 =	sld [smem:$0x3FB9]  }
0x3d: {  	_ =	shalt  }
0x3e: {  	_ =	shalt  }
0x3f: {  	_ =	shalt  }
0x40: {  	_ =	shalt  }
0x41: {  	_ =	shalt  }
0x42: {  	_ =	shalt  }
0x43: {  	_ =	shalt  }
0x44: {  	_ =	shalt  }
0x45: {  	_ =	shalt  }
0x46: {  	_ =	shalt  }
0x47: {  	_ =	shalt  }
0x48: {  	_ =	shalt  }
0x49: {  	_ =	shalt  }
0x4a: {  	_ =	shalt  }
0x4b: {  	_ =	shalt  }
0x4c: {  	_ =	shalt  }
0x4d: {  	_ =	shalt  }
0x4e: {  	_ =	shalt  }
0x4f: {  	_ =	shalt  }
0x50: {  	_ =	shalt  }
0x51: {  	_ =	shalt  }
0x52: {  	_ =	shalt  }
0x53: {  	_ =	shalt  }
0x54: {  	_ =	shalt  }
0x55: {  	_ =	shalt  }
0x56: {  	_ =	shalt  }
0x57: {  	_ =	shalt  }
0x58: {  	_ =	shalt  }
0x59: {  	_ =	shalt  }
0x5a: {  	_ =	shalt  }
0x5b: {  	_ =	shalt  }
0x5c: {  	_ =	shalt  }
0x5d: {  	_ =	shalt  }
0x5e: {  	_ =	shalt  }
0x5f: {  	_ =	shalt  }
0x60: {  	_ =	shalt  }
0x61: {  	_ =	shalt  }
0x62: {  	_ =	shalt  }
0x63: {  	_ =	shalt  }
0x64: {  	_ =	shalt  }
0x65: {  	_ =	shalt  }
0x66: {  	_ =	shalt  }
0x67: {  	_ =	shalt  }
0x68: {  	_ =	shalt  }
0x69: {  	_ =	shalt  }
0x6a: {  	_ =	shalt  }
0x6b: {  	_ =	shalt  }
0x6c: {  	_ =	shalt  }
0x6d: {  	_ =	shalt  }
0x6e: {  	_ =	shalt  }
0x6f: {  	_ =	shalt  }
0x70: {  	_ =	shalt  }
0x71: {  	_ =	shalt  }
0x72: {  	_ =	shalt  }
0x73: {  	_ =	shalt  }
0x74: {  	_ =	shalt  }
0x75: {  	_ =	shalt  }
0x76: {  	_ =	shalt  }
0x77: {  	_ =	shalt  }
0x78: {  	_ =	shalt  }
0x79: {  	_ =	shalt  }
0x7a: {  	_ =	shalt  }
0x7b: {  	_ =	shalt  }
0x7c: {  	_ =	shalt  }
0x7d: {  	_ =	shalt  }
0x7e: {  	_ =	shalt  }
0x7f: {  	_ =	shalt  }
0x80: {  	_ =	shalt  }
0x81: {  	_ =	shalt  }
0x82: {  	_ =	shalt  }
0x83: {  	_ =	shalt  }
0x84: {  	_ =	shalt  }
0x85: {  	_ =	shalt  }
0x86: {  	_ =	shalt  }
0x87: {  	_ =	shalt  }
.Lfunc_end0:
.L_simem_size_0:
called_computation_lowered:
.L_overlay_start_0:
0x88: {  	s2 =	sld [smem:$0x3FD9]  }
0x89: {  	s3 =	sld [smem:$0x3FFE];
	_ =	sdelay $0x1  }
0x8a: {  	s1 =	srdreg.scid  }
0x8b: {  	s0 =	sand.u32 $0x1, s1  }
0x8c: {  	s14 =	sshll.u32 s0, $0xA;
	s2 =	sadd.s32 s3, s2  }
0x8d: {  	s2 =	sadd.s32 s2, s14  }
0x8e: {  	[smem:$0x3FC5] =	sst s2  }
0x8f: {  	_ = 	snop  }
0x90: {  	s2 =	sld [smem:$0x3FD0];
	_ =	sdelay $0x1  }
0x91: {  	s15 =	sld [smem:$0x3FC9]  }
0x92: {  	s5 =	simm.s32 $0xA;
	s6 =	simm.s32 $0x10;
	s4 =	sld [smem:$0x3FC7]  }
0x93: {  	[smem:s6], [sflag:s5] =	dma.local [hbm:s2], $0x1  }
0x94: {  	_ =	swait.eq [sflag:s5], $0x1  }
0x95: {  	[sflag:s5] =	ssyncset.done $0x0  }
0x96: {  	[sflag:s5] =	ssyncadd.s32 $0xFFFFFFFF  }
0x97: {  	s16 =	sld [smem:$0x11];
	(tm) =	ssettm $0x1  }
0x98: {  	s17 =	sld [smem:$0x3FFB];
	_ =	sdelay $0x3  }
0x99: {  	_ =	strace s17  }
0x9a: {  	s5 =	sld [smem:$0x3FFC];
	_ =	sdelay $0x3  }
0x9b: {  	_ =	strace s5  }
0x9c: {  	s5 =	sld [smem:$0x3FFD];
	_ =	sdelay $0x3  }
0x9d: {  	_ =	strace s5  }
0x9e: {  	_ =	strace $0x8FFFFFFF  }
0x9f: {  	s18 =	sld [smem:$0x3FDB];
	_ =	sdelay $0x1  }
0xa0: {  	s19 =	simm.s32 $_scs_section_size  }
0xa1: {  	s7 =	simm.s32 $_size__tile_overlayer_lowered;
	s8 =	simm.s32 $_tile_overlayer_lowered  }
0xa2: {  	s22 =	simm.s32 $0x1BFF;
	s21 =	sshll.u32 s8, $0x1;
	s5 =	sadd.s32 s19, s18  }
0xa3: {  	s9 =	simm.s32 $0x0;
	s20 =	sshll.u32 s7, $0x1;
	s7 =	sadd.s32 s21, s5  }
0xa4: {  	[timem:s9], [sflag:s22] =	dma.local [hbm:s7], s20  }
0xa5: {  	_ =	swait.ge [sflag:s22], s20  }
0xa6: {  	s6 =	ssub.s32 $0x0, s20;
	[sflag:s22] =	ssyncset.done $0x0  }
0xa7: {  	[sflag:s22] =	ssyncadd.s32 s6;
	_ =	sdelay $0x1  }
0xa8: {  	s23 =	simm.s32 $0x1B8B  }
0xa9: {  	_ =	swait.ge [sflag:s23], $0x1  }
0xaa: {  	[sflag:s23] =	ssyncset.done $0x0  }
0xab: {  	s25 =	simm.s32 $0x1B8E;
	s24 =	sld [smem:$0x3FFE];
	[sflag:s23] =	ssyncadd.s32 $0xFFFFFFFF  }
0xac: {  	s26 =	simm.s32 $execute0_lowered;
	[smem:$0x3FD2] =	sst s25  }
0xad: {  	s7 =	sshll.u32 s26, $0x1;
	_ =	strace $0x80000046;
	[dreg:$0x1] =	wrdreg $0xFFFFFFFF  }
0xae: {  	s28 =	simm.s32 $_size_execute0_lowered;
	s5 =	sadd.s32 s5, s7;
	[dreg:$0x0] =	wrdreg $0x0  }
0xaf: {  	s7 =	sshll.u32 s28, $0x1;
	[dreg:$0x2] =	wrdreg s5  }
0xb0: {  	[dreg:$0x3] =	wrdreg s7  }
0xb1: {  	[dreg:$0x4] =	wrdreg $0xC0  }
0xb2: {  	_ =	task [dreg:s9], $0x5FFFF  }
0xb3: {  	[dreg:$0x1] =	wrdreg $0xFFFFFFFF  }
0xb4: {  	[dreg:$0x0] =	wrdreg $0x60  }
0xb5: {  	[dreg:$0x2] =	wrdreg s15  }
0xb6: {  	[dreg:$0x3] =	wrdreg s24  }
0xb7: {  	[dreg:$0x4] =	wrdreg s4  }
0xb8: {  	[dreg:$0x5] =	wrdreg s16  }
0xb9: {  	[dreg:$0x6] =	wrdreg $0x9  }
0xba: {  	_ =	task.clear_ibuf [dreg:s9], $0x7FFFF;
	_ =	strace $0x90000046  }
0xbb: {  	s29 =	simm.s32 $0x9;
	_ =	strace $0x80000048  }
0xbc: {  	_ =	swait.ge [sflag:s29], $0x1  }
0xbd: {  	[sflag:s29] =	ssyncadd.s32 $0xFFFFFFFF  }
0xbe: {  	_ =	strace $0x90000048  }
0xbf: {  	_ =	sfence  }
0xc0: {  	s30 =	sld [smem:$0x0];
	_ =	sdelay $0x2  }
0xc1: {  	s31 =	sshll.u32 s1, $0xD;
	s1 =	sshrl.u32 s1, $0x2  }
0xc2: {  	s3 =	sand.u32 $0x4000, s31;
	s1 =	sadd.s32 s1, s30  }
0xc3: {  	s0 =	sor.u32 s3, s0;
	s1 =	sshll.u32 s1, $0x11  }
0xc4: {  	s0 =	sor.u32 s1, s0  }
0xc5: {  	s0 =	sadd.s32 $0x8F2B, s0  }
0xc6: {  	[sflag:s0] =	ssyncadd.remote.s32 $0x1  }
0xc7: {  	_ =	sfence.sel $0xFFFF  }
0xc8: {  	[dreg:$0x0] =	wrdreg $0xFFFFFFFF;
	(pc) =	sbr.abs _section_cstart, $3  }
0xc9: {  	[dreg:$0x1] =	wrdreg $0xFFFFFFFF  }
0xca: {  	_ =	task.clear_ibuf [dreg:s9], $0x2FFFF;
	_ =	strace $0x9FFFFFFF  }
0xcb: {  	(tm) =	ssettm $0x7FFFFFFF  }
tec
execute0_lowered:
.L_overlay_start_1:
0x0: {  	(tag) =	ssettag $0x1  }
0x1: {  	s1 =	rddreg [dreg:$0x0]  }
0x2: {  	s0 =	rddreg [dreg:$0x1];
	s2 =	srdreg.scid  }
0x3: {  	s3 =	stileid.u32;
	s8 =	rddreg [dreg:$0x3];
	s4 =	simm.s32 $0x0  }
0x4: {  	s10 =	simm.s32 $0x1680;
	s11 =	simm.s32 $0x3;
	s12 =	simm.s32 $0x50  }
0x5: {  	s13 =	simm.s32 $0x140;
	s14 =	simm.s32 $0xA0;
	s15 =	simm.s32 $0x8C0  }
0x6: {  	s16 =	simm.s32 $0x1;
	s17 =	simm.s32 $0xF0;
	s18 =	simm.s32 $0xC800  }
0x7: {  	s19 =	simm.s32 $0x2;
	s2 =	sand.u32 $0x1, s2;
	s5 =	sshll.u32 s3, $0x1  }
0x8: {  	s20 =	simm.s32 $0x1040;
	s21 =	simm.s32 $0x0;
	s5 =	sor.u32 s2, s5  }
0x9: {  	s26 =	simm.s32 $0x0;
	s2 =	ssub.s32 $0x2, s2;
	s5 =	smul.u32 $0x640, s5  }
0xa: {  	[smem:$0x7FF] =	sst s4;
	s6 =	sadd.s32 $0x800, s0;
	s7 =	sshrl.u32 s2, $0x1  }
0xb: {  	v0 =	vlaneseq.u32;
	_ =	strace $0x80000047;
	s2 =	ssub.s32 s2, s7;
	s9 =	sshrl.u32 s5, $0x3  }
0xc: {  	v1 =	vor.u32 $0xFFFFFFF8, v0;
	s7 =	sadd.s32 $0x40A00, s0;
	s8 =	sadd.s32 s8, s9;
	s9 =	smax.u32 s2, $0x1  }
.LBB2_1:
0xd: {  	s0 =	rddreg [dreg:$0x2]  }
0xe: {  	[tilespmem:s10], [sflag:$0x3] =	stream.linear.gather [hbm4b:s0+s4], $0x1478, $0x38;
	[tilespmem:$0x156F8] =	vst v63  }
0xf: {  	_ =	swait.ge [sflag:s11], $0x1478  }
0x10: {  	[sflag:s11] =	ssyncset.done $0x0  }
0x11: {  	s22 =	simm.s32 $0x1040;
	s23 =	simm.s32 $0x0;
	[sflag:s11] =	ssyncadd.s32 $0xFFFFEB88  }
.LBB2_2:
0x12: {  	s0 =	smul.u32 $0x50, s23;
	_ =	sdelay $0x1  }
0x13: {  	s0 =	sadd.s32 s5, s0  }
0x14: {  	s24 =	sshrl.u32 s0, $0x3  }
0x15: {  	s25 =	simm.s32 $0x0;
	s0 =	sadd.s32 s1, s24  }
0x16: {  	[tilespmem:s25], [sflag:$0x3] =	stream.linear.gather [hbm4b:s0+s25], $0x50, $0x38;
	[tilespmem:$0x156F8] =	vst v63  }
0x17: {  	_ =	swait.ge [sflag:s11], $0x50  }
0x18: {  	[sflag:s11] =	ssyncset.done $0x0  }
0x19: {  	[sflag:s11] =	ssyncadd.s32 $0xFFFFFFB0  }
0x1a: {  	v2 =	vld [tilespmem:$0x0];
	_ =	sdelay $0x2  }
0x1b: {  	v3 =	vld [tilespmem:$0x10];
	_ =	sdelay $0x1  }
0x1c: {  	v4 =	vmul.u32 $0x7, v2  }
0x1d: {  	v5 =	vld [tilespmem:$0x20]  }
0x1e: {  	v57 =	vld [tilespmem:$0x30];
	v2 =	vmul.u32 $0x15, v2;
	v4 =	vshrl.u32 v4, $0x3  }
0x1f: {  	v8 =	vmul.u32 $0x7, v3;
	v6 =	vmin.u32 v4, $0x155CA;
	v7 =	vmul.u32 $0xFFFFFFE8, v4  }
0x20: {  	[tilespmem:$0x50] =	vst v4;
	v4 =	vadd.s32 $0x1, v6  }
0x21: {  	v3 =	vmul.u32 $0x15, v3;
	[tilespmem:$0xA0] =	vst v4;
	v2 =	vadd.s32 v2, v7;
	v4 =	vshrl.u32 v8, $0x3  }
0x22: {  	v59 =	vmul.u32 $0x7, v5;
	[tilespmem:$0xF0] =	vst v2;
	v2 =	vmin.u32 v4, $0x155CA;
	v58 =	vmul.u32 $0xFFFFFFE8, v4  }
0x23: {  	v61 =	vmul.u32 $0x7, v57;
	[tilespmem:$0x60] =	vst v4;
	v4 =	vld [tilespmem:$0x40];
	v2 =	vadd.s32 $0x1, v2  }
0x24: {  	[tilespmem:$0xB0] =	vst v2;
	v2 =	vadd.s32 v3, v58;
	v3 =	vmul.u32 $0x15, v5;
	v5 =	vshrl.u32 v59, $0x3  }
0x25: {  	[tilespmem:$0x100] =	vst v2;
	v2 =	vmin.u32 v5, $0x155CA;
	v60 =	vmul.u32 $0xFFFFFFE8, v5  }
0x26: {  	[tilespmem:$0x70] =	vst v5;
	v5 =	vshrl.u32 v61, $0x3;
	v2 =	vadd.s32 $0x1, v2  }
0x27: {  	v62 =	vmul.u32 $0xFFFFFFE8, v5;
	[tilespmem:$0xC0] =	vst v2;
	v2 =	vadd.s32 v3, v60  }
0x28: {  	v3 =	vmul.u32 $0x15, v57;
	v63 =	vmul.u32 $0x7, v4;
	[tilespmem:$0x110] =	vst v2;
	v2 =	vmin.u32 v5, $0x155CA  }
0x29: {  	[tilespmem:$0x80] =	vst v5;
	v2 =	vadd.s32 $0x1, v2  }
0x2a: {  	[tilespmem:$0xD0] =	vst v2;
	v2 =	vadd.s32 v3, v62;
	v3 =	vshrl.u32 v63, $0x3  }
0x2b: {  	[tilespmem:$0x120] =	vst v2;
	v2 =	vmul.u32 $0x15, v4;
	v4 =	vmin.u32 v3, $0x155CA;
	v5 =	vmul.u32 $0xFFFFFFE8, v3  }
0x2c: {  	[tilespmem:$0x90] =	vst v3;
	v3 =	vadd.s32 $0x1, v4  }
0x2d: {  	[tilespmem:$0xE0] =	vst v3;
	v2 =	vadd.s32 v2, v5  }
0x2e: {  	[tilespmem:$0x130] =	vst v2  }
0x2f: {  	[tilespmem:s13], [sflag:$0x1] =	stream.indirect.gather [hbm4b:s6+s12], $0x18, s12, s12, $0xb8;
	[tilespmem:$0x156F8] =	vst v63  }
0x30: {  	_ = 	snop  }
0x31: {  	[tilespmem:s15], [sflag:$0x1] =	stream.indirect.gather [hbm4b:s6+s12], $0x18, s14, s12, $0xb8;
	[tilespmem:$0x156F8] =	vst v63  }
0x32: {  	v2 =	vor.u32 s25, v0;
	_ =	swait.ge [sflag:s16], $0x780  }
0x33: {  	v3 =	vand.u32 v1, v2;
	[sflag:s16] =	ssyncset.done $0x0  }
0x34: {  	[sflag:s16] =	ssyncadd.s32 $0xFFFFF880  }
0x35: {  	_ =	swait.ge [sflag:s16], $0x780  }
0x36: {  	[sflag:s16] =	ssyncset.done $0x0  }
0x37: {  	[sflag:s16] =	ssyncadd.s32 $0xFFFFF880  }
0x38: {  	v3 =	vld.idx.msk [tilespmem:v3+s17+$0x0], $0xffff;
	_ =	sdelay $0x4  }
0x39: {  	v3 =	vadd.s32 $0x14, v3  }
0x3a: {  	v4 =	vmul.u32 $0xAAB, v3;
	_ =	sdelay $0x1  }
0x3b: {  	v4 =	vshrl.u32 v4, $0x10  }
0x3c: {  	v5 =	vmul.u32 $0x50, v4  }
0x3d: {  	v4 =	vmul.u32 $0xFFFFFFE8, v4  }
0x3e: {  	v2 =	vadd.s32 v2, v5  }
0x3f: {  	v4 =	vadd.s32 v3, v4;
	v2 =	vmul.u32 $0x18, v2  }
0x40: {  	v4 =	vand.u32 $0xFFFFFFF8, v4  }
0x41: {  	v3 =	vand.u32 $0x7, v3;
	v2 =	vadd.s32 v4, v2  }
0x42: {  	v2 =	vor.u32 v3, v2;
	_ =	sdelay $0x3  }
0x43: {  	s30 =	simm.s32 $0x10  }
0x44: {  	v3 =	vor.u32 s30, v0;
	v2 =	vld.idx.msk [tilespmem:v2+s13+$0x0], $0xffff  }
0x45: {  	v4 =	vand.u32 v1, v3;
	_ =	sdelay $0x3  }
0x46: {  	[tilespmem:s22+$0x0] =	vst v2  }
0x47: {  	v2 =	vld.idx.msk [tilespmem:v4+s17+$0x0], $0xffff;
	_ =	sdelay $0x4  }
0x48: {  	v2 =	vadd.s32 $0x14, v2  }
0x49: {  	v4 =	vmul.u32 $0xAAB, v2;
	_ =	sdelay $0x1  }
0x4a: {  	v4 =	vshrl.u32 v4, $0x10  }
0x4b: {  	v5 =	vmul.u32 $0x50, v4  }
0x4c: {  	v4 =	vmul.u32 $0xFFFFFFE8, v4  }
0x4d: {  	v3 =	vadd.s32 v3, v5  }
0x4e: {  	v4 =	vadd.s32 v2, v4;
	v3 =	vmul.u32 $0x18, v3  }
0x4f: {  	v4 =	vand.u32 $0xFFFFFFF8, v4  }
0x50: {  	v2 =	vand.u32 $0x7, v2;
	v3 =	vadd.s32 v4, v3  }
0x51: {  	v2 =	vor.u32 v2, v3;
	_ =	sdelay $0x3  }
0x52: {  	s31 =	simm.s32 $0x20  }
0x53: {  	s2 =	simm.s32 $0x30;
	s0 =	smov.u32 s22;
	v3 =	vld.idx.msk [tilespmem:v2+s13+$0x0], $0xffff;
	v2 =	vor.u32 s31, v0  }
.LBB2_3:
0x54: {  	p0 =	seq.s32 s2, $0x40;
	v4 =	vand.u32 v1, v2;
	_ =	sdelay $0x2  }
0x55: {  	s0 =	sadd.s32 $0x10, s0  }
0x56: {  	[tilespmem:s0+$0x0] =	vst v3  }
0x57: {  	v3 =	vld.idx.msk [tilespmem:v4+s17+$0x0], $0xffff;
	_ =	sdelay $0x5  }
0x58: {  	v3 =	vadd.s32 $0x14, v3  }
0x59: {  	v4 =	vmul.u32 $0xAAB, v3;
	_ =	sdelay $0x1  }
0x5a: {  	v4 =	vshrl.u32 v4, $0x10  }
0x5b: {  	v5 =	vmul.u32 $0x50, v4  }
0x5c: {  	v4 =	vmul.u32 $0xFFFFFFE8, v4  }
0x5d: {  	v2 =	vadd.s32 v2, v5  }
0x5e: {  	v4 =	vadd.s32 v3, v4;
	v2 =	vmul.u32 $0x18, v2  }
0x5f: {  	v4 =	vand.u32 $0xFFFFFFF8, v4  }
0x60: {  	v3 =	vand.u32 $0x7, v3;
	v2 =	vadd.s32 v4, v2  }
0x61: {  	v2 =	vor.u32 v3, v2;
	_ =	sdelay $0x1  }
.Ltmp0:
0x62: {  	(pc) =	sbr.rel @!p0 .LBB2_3-.Ltmp0, $3  }
0x63: {  	_ =	sdelay $0x1  }
0x64: {  	v3 =	vld.idx.msk [tilespmem:v2+s13+$0x0], $0xffff  }
0x65: {  	v2 =	vor.u32 s2, v0;
	s2 =	sadd.s32 $0x10, s2  }
0x66: {  	v4 =	vand.u32 v1, v2;
	_ =	sdelay $0x2  }
0x67: {  	s0 =	sadd.s32 $0x10, s0  }
0x68: {  	[tilespmem:s0+$0x0] =	vst v3  }
0x69: {  	v3 =	vld.idx.msk [tilespmem:v4+s17+$0x0], $0xffff;
	_ =	sdelay $0x4  }
0x6a: {  	v3 =	vadd.s32 $0x14, v3  }
0x6b: {  	v63 =	vmul.u32 $0xAAB, v3;
	_ =	sdelay $0x1  }
0x6c: {  	v4 =	vshrl.u32 v63, $0x10  }
0x6d: {  	v5 =	vmul.u32 $0x50, v4  }
0x6e: {  	v4 =	vmul.u32 $0xFFFFFFE8, v4  }
0x6f: {  	v2 =	vadd.s32 v2, v5  }
0x70: {  	v4 =	vadd.s32 v3, v4;
	v2 =	vmul.u32 $0x18, v2  }
0x71: {  	v4 =	vand.u32 $0xFFFFFFF8, v4  }
0x72: {  	v3 =	vand.u32 $0x7, v3;
	v2 =	vadd.s32 v4, v2  }
0x73: {  	v2 =	vor.u32 v3, v2;
	_ =	sdelay $0x4  }
0x74: {  	v2 =	vld.idx.msk [tilespmem:v2+s13+$0x0], $0xffff;
	_ =	sdelay $0x1  }
0x75: {  	s31 =	sand.u32 $0x1, s23  }
0x76: {  	s25 =	simm.s32 $0xC0F8;
	p0 =	seq.s32 s31, $0x1  }
0x77: {  	s25 =	simm.s32 @!p0 $0x2AF8;
	s0 =	sadd.s32 $0x10, s0  }
0x78: {  	s29 =	simm.s32 $0x0;
	s28 =	smov.u32 s25;
	[tilespmem:s0+$0x0] =	vst v2  }
.LBB2_5:
0x79: {  	s0 =	smul.u32 $0xCD, s29;
	_ =	sdelay $0x1  }
0x7a: {  	s0 =	sshrl.u32 s0, $0xA  }
0x7b: {  	s0 =	sand.u32 $0x3F, s0  }
0x7c: {  	s2 =	smul.u32 $0xFFFFFFB, s0;
	_ =	sdelay $0x1  }
0x7d: {  	s2 =	sadd.s32 s29, s2  }
0x7e: {  	s2 =	sshll.u32 s2, $0x4  }
0x7f: {  	v2 =	vor.u32 s2, v0  }
0x80: {  	v3 =	vand.u32 v1, v2;
	_ =	sdelay $0x4  }
0x81: {  	v3 =	vld.idx.msk [tilespmem:v3+s17+$0x0], $0xffff;
	_ =	sdelay $0x4  }
0x82: {  	v3 =	vadd.s32 s0, v3  }
0x83: {  	v4 =	vmul.u32 $0xAAB, v3;
	_ =	sdelay $0x1  }
0x84: {  	v4 =	vshrl.u32 v4, $0x10  }
0x85: {  	v5 =	vmul.u32 $0x50, v4  }
0x86: {  	v4 =	vmul.u32 $0xFFFFFFE8, v4  }
0x87: {  	v2 =	vadd.s32 v2, v5  }
0x88: {  	v4 =	vadd.s32 v3, v4;
	v2 =	vmul.u32 $0x18, v2  }
0x89: {  	v4 =	vand.u32 $0xFFFFFFF8, v4  }
0x8a: {  	v3 =	vand.u32 $0x7, v3;
	v2 =	vadd.s32 v4, v2  }
0x8b: {  	v2 =	vor.u32 v3, v2;
	_ =	sdelay $0x4  }
0x8c: {  	v2 =	vld.idx.msk [tilespmem:v2+s13+$0x0], $0xffff;
	_ =	sdelay $0x4  }
0x8d: {  	v3 =	vmul.u32 $0x14, v2;
	_ =	sdelay $0x1  }
0x8e: {  	v4 =	vadd.s32 s26, v3;
	_ =	sdelay $0x3  }
0x8f: {  	s2 =	smulhi.u32 $0xCCCCCCCD, s29  }
0x90: {  	s3 =	simm.s32 $0x1;
	v2 =	vmov s28;
	v4 =	vld.idx.msk [tilespmem:v4+s10+$0x0], $0xffff  }
0x91: {  	s0 =	sshrl.u32 s2, $0x2;
	v5 =	vadd.s32 s3, v3  }
0x92: {  	s30 =	smul.u32 $0x1CC0, s0;
	_ =	sdelay $0x1  }
0x93: {  	s2 =	sshra.s32 s30, $0x2  }
0x94: {  	[tilespmem:v2+s2+$0x0 ss:$0x1] =	vst.idx.msk $0xffff, v4  }
0x95: {  	s3 =	simm.s32 $0x2;
	v4 =	vld.idx.msk [tilespmem:v5+s10+$0x0], $0xffff  }
0x96: {  	v5 =	vadd.s32 s3, v3;
	_ =	sdelay $0x3  }
0x97: {  	[tilespmem:v2+s2+$0x50 ss:$0x1] =	vst.idx.msk $0xffff, v4  }
0x98: {  	s3 =	simm.s32 $0x3;
	v4 =	vld.idx.msk [tilespmem:v5+s10+$0x0], $0xffff  }
0x99: {  	v5 =	vadd.s32 s3, v3;
	_ =	sdelay $0x3  }
0x9a: {  	[tilespmem:v2+s2+$0xA0 ss:$0x1] =	vst.idx.msk $0xffff, v4  }
0x9b: {  	s3 =	simm.s32 $0x4;
	v4 =	vld.idx.msk [tilespmem:v5+s10+$0x0], $0xffff  }
0x9c: {  	v5 =	vadd.s32 s3, v3;
	_ =	sdelay $0x3  }
0x9d: {  	[tilespmem:v2+s2+$0xF0 ss:$0x1] =	vst.idx.msk $0xffff, v4  }
0x9e: {  	s31 =	simm.s32 $0x5;
	v4 =	vld.idx.msk [tilespmem:v5+s10+$0x0], $0xffff  }
0x9f: {  	s0 =	simm.s32 $0xA;
	v5 =	vadd.s32 s31, v3  }
.LBB2_6:
0xa0: {  	p0 =	slt.u32 s0, $0xF;
	_ =	sdelay $0x2  }
0xa1: {  	[tilespmem:v2+s2+$0x140 ss:$0x1] =	vst.idx.msk $0xffff, v4  }
0xa2: {  	v4 =	vld.idx.msk [tilespmem:v5+s10+$0x0], $0xffff  }
0xa3: {  	s2 =	sadd.s32 $0x1, s31  }
0xa4: {  	v5 =	vadd.s32 s2, v3;
	_ =	sdelay $0x1  }
0xa5: {  	s30 =	sadd.s32 $0x640, s30  }
0xa6: {  	s2 =	sshra.s32 s30, $0x2  }
0xa7: {  	[tilespmem:v2+s2+$0x0 ss:$0x1] =	vst.idx.msk $0xffff, v4  }
0xa8: {  	v4 =	vld.idx.msk [tilespmem:v5+s10+$0x0], $0xffff  }
0xa9: {  	s3 =	sadd.s32 $0x2, s31  }
0xaa: {  	v5 =	vadd.s32 s3, v3;
	_ =	sdelay $0x3  }
0xab: {  	[tilespmem:v2+s2+$0x50 ss:$0x1] =	vst.idx.msk $0xffff, v4  }
0xac: {  	v4 =	vld.idx.msk [tilespmem:v5+s10+$0x0], $0xffff  }
0xad: {  	s3 =	sadd.s32 $0x3, s31  }
0xae: {  	v5 =	vadd.s32 s3, v3;
	_ =	sdelay $0x3  }
0xaf: {  	[tilespmem:v2+s2+$0xA0 ss:$0x1] =	vst.idx.msk $0xffff, v4  }
0xb0: {  	v4 =	vld.idx.msk [tilespmem:v5+s10+$0x0], $0xffff  }
0xb1: {  	s3 =	sadd.s32 $0x4, s31;
	s31 =	smov.u32 s0  }
0xb2: {  	v5 =	vadd.s32 s3, v3;
	_ =	sdelay $0x2  }
.Ltmp1:
0xb3: {  	(pc) =	sbr.rel @p0 .LBB2_6-.Ltmp1, $3  }
0xb4: {  	[tilespmem:v2+s2+$0xF0 ss:$0x1] =	vst.idx.msk $0xffff, v4  }
0xb5: {  	v4 =	vld.idx.msk [tilespmem:v5+s10+$0x0], $0xffff;
	_ =	sdelay $0x1  }
0xb6: {  	s0 =	sadd.s32 $0x5, s0;
	v5 =	vadd.s32 s31, v3  }
0xb7: {  	_ =	sdelay $0x3  }
0xb8: {  	[tilespmem:v2+s2+$0x140 ss:$0x1] =	vst.idx.msk $0xffff, v4  }
0xb9: {  	s0 =	sadd.s32 $0x1, s31;
	v4 =	vld.idx.msk [tilespmem:v5+s10+$0x0], $0xffff  }
0xba: {  	v61 =	vadd.s32 s0, v3;
	_ =	sdelay $0x1  }
0xbb: {  	s2 =	sadd.s32 $0x640, s30  }
0xbc: {  	s0 =	sshra.s32 s2, $0x2  }
0xbd: {  	[tilespmem:v2+s0+$0x0 ss:$0x1] =	vst.idx.msk $0xffff, v4  }
0xbe: {  	s3 =	sadd.s32 $0x2, s31;
	v4 =	vld.idx.msk [tilespmem:v61+s10+$0x0], $0xffff  }
0xbf: {  	v62 =	vadd.s32 s3, v3;
	_ =	sdelay $0x3  }
0xc0: {  	[tilespmem:v2+s0+$0x50 ss:$0x1] =	vst.idx.msk $0xffff, v4  }
0xc1: {  	s30 =	sadd.s32 $0x3, s31;
	v4 =	vld.idx.msk [tilespmem:v62+s10+$0x0], $0xffff  }
0xc2: {  	v63 =	vadd.s32 s30, v3;
	_ =	sdelay $0x3  }
0xc3: {  	[tilespmem:v2+s0+$0xA0 ss:$0x1] =	vst.idx.msk $0xffff, v4  }
0xc4: {  	s31 =	sadd.s32 $0x4, s31;
	v4 =	vld.idx.msk [tilespmem:v63+s10+$0x0], $0xffff  }
0xc5: {  	v3 =	vadd.s32 s31, v3;
	_ =	sdelay $0x3  }
0xc6: {  	s29 =	sadd.s32 $0x1, s29;
	[tilespmem:v2+s0+$0xF0 ss:$0x1] =	vst.idx.msk $0xffff, v4  }
0xc7: {  	p0 =	sne.s32 s29, $0x64;
	v3 =	vld.idx.msk [tilespmem:v3+s10+$0x0], $0xffff  }
.Ltmp2:
0xc8: {  	_ = 	snop;
	(pc) =	sbr.rel @p0 .LBB2_5-.Ltmp2, $2  }
0xc9: {  	_ =	sdelay $0x2  }
0xca: {  	s28 =	sadd.s32 $0x10, s28;
	[tilespmem:v2+s0+$0x140 ss:$0x1] =	vst.idx.msk $0xffff, v3  }
0xcb: {  	p0 =	slt.u32 s23, $0x2  }
0xcc: {  	s0 =	simm.s32 @!p0 $0x2  }
0xcd: {  	_ =	swait.ge @!p0 [sflag:s0], $0x9600  }
0xce: {  	s23 =	sadd.s32 $0x1, s23;
	[sflag:s0] =	ssyncset.done @!p0 $0x0  }
0xcf: {  	[sflag:s0] =	ssyncadd.s32 @!p0 $0xFFFF6A00;
	p0 =	sne.s32 s23, $0x14  }
.Ltmp3:
0xd0: {  	_ = 	snop;
	(pc) =	sbr.rel @p0 .LBB2_2-.Ltmp3, $3  }
0xd1: {  	_ =	sdelay $0x1  }
0xd2: {  	s31 =	sadd.s32 s7, s24;
	s22 =	sadd.s32 $0x50, s22  }
0xd3: {  	[hbm4b:s31+s12] =	stream.strided.scatter [tilespmem:s25], [sflag:$0x2], $0x9600, s18, s12, $0x38;
	[tilespmem:$0x156F8] =	vst v63  }
0xd4: {  	_ =	swait.ge [sflag:s19], $0x9600  }
0xd5: {  	[sflag:s19] =	ssyncset.done $0x0  }
0xd6: {  	[sflag:s19] =	ssyncadd.s32 $0xFFFF6A00  }
0xd7: {  	s21 =	sadd.s32 $0x1, s21;
	_ =	swait.ge [sflag:s19], $0x9600  }
0xd8: {  	p0 =	sne.s32 s21, s9;
	[sflag:s19] =	ssyncset.done $0x0  }
.Ltmp4:
0xd9: {  	[sflag:s19] =	ssyncadd.s32 $0xFFFF6A00;
	(pc) =	sbr.rel @p0 .LBB2_1-.Ltmp4, $4  }
0xda: {  	[hbm4b:s8+s4] =	stream.linear.scatter [tilespmem:s20], [sflag:$0x3], $0x640, $0x38;
	[tilespmem:$0x156F8] =	vst v63  }
0xdb: {  	_ =	swait.ge [sflag:s11], $0x640  }
0xdc: {  	[sflag:s11] =	ssyncset.done $0x0  }
0xdd: {  	[sflag:s11] =	ssyncadd.s32 $0xFFFFF9C0  }
0xde: {  	_ =	sfence.sel $0x180000  }
0xdf: {  	[bflag:$0x0] =	sbarrier.arrive $0xFFFF  }
0xe0: {  	_ =	strace $0x90000047  }
0xe1: {  	s0 =	stileid.u32;
	[bflag:$0x2] =	sbarrier.arrive $0xFFFF  }
0xe2: {  	p0 =	sne.s32 s0, $0x0;
	s0 =	rddreg [dreg:$0x4]  }
0xe3: {  	s0 =	sadd.s32 @!p0 $0x100000, s0  }
0xe4: {  	[sflag:s0] =	ssyncadd.tile.s32 @!p0 $0x1;
	_ =	shalt  }
.Lfunc_end2:
_tile_overlayer_lowered:
.L_overlay_start_2:
0xe5: {  	(tag) =	ssettag $0x2  }
0xe6: {  	s0 =	rddreg [dreg:$0x0];
	s2 =	stileid.u32  }
0xe7: {  	s1 =	rddreg [dreg:$0x1];
	p0 =	sne.s32 s2, $0x0  }
0xe8: {  	s3 =	rddreg [dreg:$0x2];
	[bflag:$0x3] =	sbarrier.arrive $0xFFFF;
	s2 =	simm.s32 @!p0 $0x1C03  }
0xe9: {  	[timem:s3], [sflag:s2] =	dma.local @!p0 [hbm:s0], s1  }
0xea: {  	s0 =	simm.s32 @!p0 $0x3  }
0xeb: {  	_ =	swait.ge @!p0 [sflag:s0], s1  }
0xec: {  	s1 =	ssub.s32 @!p0 $0x0, s1;
	[sflag:s0] =	ssyncset.done @!p0 $0x0  }
0xed: {  	[sflag:s0] =	ssyncadd.s32 @!p0 s1  }
0xee: {  	[bflag:$0x3] =	sbarrier.arrive $0xFFFF  }
0xef: {  	_ =	shalt  }

</sc_bundles>
